<compile_context>
chip_gen: v7x
topology: tpu7x:2x2x1
jax: 0.10.2.dev20260603
libtpu: 0.0.44.dev20260713+nightly
codegen_flags: <defaults>
</compile_context>

<pallas_src>
import functools

import numpy as np
import jax
import jax.numpy as jnp
from jax import lax
from jax.experimental import pallas as pl
from jax.experimental.pallas import tpu as pltpu
from jax.experimental.pallas import tpu_sc as plsc

_B = 4096
_D = 32
_S = 25
_N = 100000
_NC = 2
_NS = 16
_NW = _NC * _NS
_L = 16
_NVQ = _B // _L
_UNROLL = 8

_PERM = np.asarray(
    [31, 7, 4, 29, 16, 19, 2, 5, 30, 3, 22, 6, 18, 10, 11, 15,
     20, 8, 24, 9, 25, 13, 14, 17, 23, 0, 21, 26, 1, 28, 27, 12],
    dtype=np.int32,
)
_CTRL_LEN = _L + _D + _L + (_NW - _S)

_mesh = plsc.VectorSubcoreMesh(core_axis_name="c", subcore_axis_name="s")


@functools.partial(
    pl.kernel,
    out_type=jax.ShapeDtypeStruct((_S, _B), jnp.int32),
    mesh=_mesh,
    compiler_params=pltpu.CompilerParams(
        needs_layout_passes=False,
        disable_bounds_checks=True,
        disable_semaphore_checks=True,
        skip_device_barrier=True,
    ),
    scratch_types=[
        pltpu.VMEM((_CTRL_LEN,), jnp.int32),
        pltpu.VMEM((_B,), jnp.int32),
        pltpu.VMEM((_N,), jnp.int32),
        pltpu.VMEM((_B,), jnp.int32),
        pltpu.SemaphoreType.DMA,
        pltpu.SemaphoreType.DMA,
    ],
)
def _sample_sc(tableT_hbm, ids_hbm, ctrl_hbm, out_hbm,
               ctrl_v, ids_v, row_v, gat_v, sem_ids, sem_row):
    wid = lax.axis_index("s") * _NC + lax.axis_index("c")

    @pl.when(wid < _S)
    def _():
        a_ids = pltpu.async_copy(ids_hbm, ids_v, sem_ids)
        pltpu.sync_copy(ctrl_hbm, ctrl_v)
        sv = ctrl_v[pl.ds(0, _L)]
        pv = ctrl_v[pl.ds(_L + sv[0] - _S + wid, _L)]
        r = sv[1] * _D + pv[0]
        pltpu.async_copy(tableT_hbm.at[r], row_v, sem_row).wait()
        a_ids.wait()

        def body(v, carry):
            base = v * (_UNROLL * _L)
            for u in range(_UNROLL):
                ivec = ids_v[pl.ds(base + u * _L, _L)]
                gat_v[pl.ds(base + u * _L, _L)] = plsc.load_gather(row_v, [ivec])
            return carry

        lax.fori_loop(0, _NVQ // _UNROLL, body, 0)
        pltpu.sync_copy(gat_v, out_hbm.at[wid])


def kernel(ids, num_samples, t, adj_info):
    T, N, D = adj_info.shape
    tableT = jnp.swapaxes(adj_info, 1, 2).reshape(T * D, N)
    ctrl = (
        jnp.zeros((_CTRL_LEN,), jnp.int32)
        .at[0].set(num_samples)
        .at[1].set(t)
        .at[_L : _L + _D].set(jnp.asarray(_PERM))
    )
    out = _sample_sc(tableT, ids, ctrl)
    return out.T

# --- scband reference (transcript-rebuilt; emitter-appended) ---
"""Pipeline reference for scband-uniform-neighbor-sampler-64295660421645 (READ-ONLY COPY).

The authoritative reference and input builder live on the scoring server;
editing this copy changes nothing except your own understanding.
"""

import jax, jax.numpy as jnp
import numpy as np

N_NODES = 100000
MAX_DEGREE = 32
T_TABLES = 2
BATCH = 4096


def setup_inputs(seed: int = 0) -> dict:
    key = jax.random.key(seed)
    k1, k2 = jax.random.split(key)
    # adj_info: padded adjacency lists, one table per phase t (e.g. train/val).
    # Padded with random (re-sampled) neighbor ids, as assumed by the module.
    adj_info = jax.random.randint(k1, (T_TABLES, N_NODES, MAX_DEGREE), 0, N_NODES, dtype=jnp.int32)
    ids = jax.random.randint(k2, (BATCH,), 0, N_NODES, dtype=jnp.int32)
    return {"ids": ids, "num_samples": 25, "t": 0, "adj_info": adj_info}


def reference(ids, num_samples, t, adj_info):
    # adj_lists = tf.gather(adj_info[t], tf.reshape(ids, [-1]))
    adj_lists = jnp.take(adj_info[t], jnp.reshape(ids, (-1,)), axis=0)  # [B, max_degree]
    # tf.transpose(tf.random.shuffle(tf.transpose(adj_lists)))
    # == apply one random permutation to the columns (same perm for every row)
    perm = jax.random.permutation(jax.random.key(42), adj_lists.shape[1])
    adj_lists = jnp.take(adj_lists, perm, axis=1)
    # tf.slice(adj_lists, [0, 0], [-1, num_samples])
    return jax.lax.dynamic_slice_in_dim(adj_lists, num_samples - 25, 25, axis=1)

if __name__ == "__main__":
    import jax
    _d = setup_inputs()
    print(jax.jit(kernel)(*tuple(_d.values())))

</pallas_src>

<mosaic_0001>
#map = affine_map<(d0, d1) -> (0, 0)>
#map1 = affine_map<(d0, d1) -> (0)>
module attributes {stable_mosaic.version = 14 : i64} {
  func.func @_sample_sc(%arg0: i32, %arg1: i32, %arg2: memref<64x100000xi32, #tpu.memory_space<hbm>>, %arg3: memref<4096xi32, #tpu.memory_space<hbm>>, %arg4: memref<71xi32, #tpu.memory_space<hbm>>, %arg5: memref<25x4096xi32, #tpu.memory_space<hbm>>, %arg6: memref<71xi32, #tpu.memory_space<vmem>>, %arg7: memref<4096xi32, #tpu.memory_space<vmem>>, %arg8: memref<100000xi32, #tpu.memory_space<vmem>>, %arg9: memref<4096xi32, #tpu.memory_space<vmem>>, %arg10: memref<!tpu.dma_semaphore, #tpu.memory_space<semaphore_mem>>, %arg11: memref<!tpu.dma_semaphore, #tpu.memory_space<semaphore_mem>>) attributes {dimension_semantics = [#tpu.dimension_semantics<core_parallel>, #tpu.dimension_semantics<subcore_parallel>], iteration_bounds = array<i64: 2, 16>, scalar_prefetch = 0 : i64, scratch_operands = 6 : i64, tpu.core_type = #tpu.core_type<sc_vector_subcore>, window_params = [{transform_indices = #map}, {transform_indices = #map1}, {transform_indices = #map1}, {transform_indices = #map}]} {
    %mul3A = arith.constant 2 : i32
    %mul3A_0 = arith.muli %arg1, %mul3A : i32
    %add3A = arith.addi %mul3A_0, %arg0 : i32
    %lt3A = arith.constant 25 : i32
    %lt3A_1 = arith.cmpi slt, %add3A, %lt3A : i32
    %convert_element_type3A = arith.extui %lt3A_1 : i1 to i32
    %cond3A = arith.constant 0 : i32
    %cond3A_2 = arith.cmpi ne, %convert_element_type3A, %cond3A : i32
    scf.if %cond3A_2 {
      tpu.enqueue_dma source(%arg3 : memref<4096xi32, #tpu.memory_space<hbm>>) target(%arg7 : memref<4096xi32, #tpu.memory_space<vmem>>) target_semaphore(%arg10 : memref<!tpu.dma_semaphore, #tpu.memory_space<semaphore_mem>>)
      "tpu.region"() ({
        %run_scoped3A = tpu.sem_alloc : memref<!tpu.dma_semaphore, #tpu.memory_space<semaphore_mem>>
        tpu.enqueue_dma source(%arg4 : memref<71xi32, #tpu.memory_space<hbm>>) target(%arg6 : memref<71xi32, #tpu.memory_space<vmem>>) target_semaphore(%run_scoped3A : memref<!tpu.dma_semaphore, #tpu.memory_space<semaphore_mem>>)
        tpu.wait_dma2 semaphore(%run_scoped3A : memref<!tpu.dma_semaphore, #tpu.memory_space<semaphore_mem>>) src(%arg4 : memref<71xi32, #tpu.memory_space<hbm>>) dst(%arg6 : memref<71xi32, #tpu.memory_space<vmem>>)
        tpu.yield
      }) : () -> ()
      %get3A = arith.constant 0 : index
      %get3A_3 = tpu.vector_load %arg6[%get3A] {strides = array<i32>} : memref<71xi32, #tpu.memory_space<vmem>>, vector<16xi32>,
      %slice3A = vector.extract_strided_slice %get3A_3 {offsets = [0], sizes = [1], strides = [1]} : vector<16xi32> to vector<1xi32>
      %squeeze3A = vector.extract %slice3A[0] : i32 from vector<1xi32>
      %add3A_4 = arith.constant 16 : i32
      %add3A_5 = arith.addi %add3A_4, %squeeze3A : i32
      %sub3A = arith.constant 25 : i32
      %sub3A_6 = arith.subi %add3A_5, %sub3A : i32
      %add3A_7 = arith.addi %sub3A_6, %add3A : i32
      %get3A_8 = arith.index_cast %add3A_7 : i32 to index
      %get3A_9 = tpu.vector_load %arg6[%get3A_8] {strides = array<i32>} : memref<71xi32, #tpu.memory_space<vmem>>, vector<16xi32>,
      %slice3A_10 = vector.extract_strided_slice %get3A_3 {offsets = [1], sizes = [1], strides = [1]} : vector<16xi32> to vector<1xi32>
      %squeeze3A_11 = vector.extract %slice3A_10[0] : i32 from vector<1xi32>
      %mul3A_12 = arith.constant 32 : i32
      %mul3A_13 = arith.muli %squeeze3A_11, %mul3A_12 : i32
      %slice3A_14 = vector.extract_strided_slice %get3A_9 {offsets = [0], sizes = [1], strides = [1]} : vector<16xi32> to vector<1xi32>
      %squeeze3A_15 = vector.extract %slice3A_14[0] : i32 from vector<1xi32>
      %add3A_16 = arith.addi %mul3A_13, %squeeze3A_15 : i32
      %dma_start3A = arith.constant 0 : i32
      %dma_start3A_17 = tpu.memref_slice %arg2[%add3A_16, %dma_start3A] : memref<64x100000xi32, #tpu.memory_space<hbm>> -> memref<1x100000xi32, #tpu.memory_space<hbm>>
      %dma_start3A_18 = tpu.memref_squeeze %dma_start3A_17 : memref<1x100000xi32, #tpu.memory_space<hbm>> -> memref<100000xi32, #tpu.memory_space<hbm>>
      %dma_start3A_19 = arith.constant 0 : i32
      %dma_start3A_20 = tpu.memref_slice %arg2[%add3A_16, %dma_start3A_19] : memref<64x100000xi32, #tpu.memory_space<hbm>> -> memref<1x100000xi32, #tpu.memory_space<hbm>>
      %dma_start3A_21 = tpu.memref_squeeze %dma_start3A_20 : memref<1x100000xi32, #tpu.memory_space<hbm>> -> memref<100000xi32, #tpu.memory_space<hbm>>
      tpu.enqueue_dma source(%dma_start3A_21 : memref<100000xi32, #tpu.memory_space<hbm>>) target(%arg8 : memref<100000xi32, #tpu.memory_space<vmem>>) target_semaphore(%arg11 : memref<!tpu.dma_semaphore, #tpu.memory_space<semaphore_mem>>)
      %dma_wait3A = arith.constant 0 : i32
      %dma_wait3A_22 = tpu.memref_slice %arg2[%add3A_16, %dma_wait3A] : memref<64x100000xi32, #tpu.memory_space<hbm>> -> memref<1x100000xi32, #tpu.memory_space<hbm>>
      %dma_wait3A_23 = tpu.memref_squeeze %dma_wait3A_22 : memref<1x100000xi32, #tpu.memory_space<hbm>> -> memref<100000xi32, #tpu.memory_space<hbm>>
      %dma_wait3A_24 = arith.constant 0 : i32
      %dma_wait3A_25 = tpu.memref_slice %arg2[%add3A_16, %dma_wait3A_24] : memref<64x100000xi32, #tpu.memory_space<hbm>> -> memref<1x100000xi32, #tpu.memory_space<hbm>>
      %dma_wait3A_26 = tpu.memref_squeeze %dma_wait3A_25 : memref<1x100000xi32, #tpu.memory_space<hbm>> -> memref<100000xi32, #tpu.memory_space<hbm>>
      tpu.wait_dma2 semaphore(%arg11 : memref<!tpu.dma_semaphore, #tpu.memory_space<semaphore_mem>>) src(%dma_wait3A_26 : memref<100000xi32, #tpu.memory_space<hbm>>) dst(%arg8 : memref<100000xi32, #tpu.memory_space<vmem>>)
      tpu.wait_dma2 semaphore(%arg10 : memref<!tpu.dma_semaphore, #tpu.memory_space<semaphore_mem>>) src(%arg3 : memref<4096xi32, #tpu.memory_space<hbm>>) dst(%arg7 : memref<4096xi32, #tpu.memory_space<vmem>>)
      %scan3A = arith.constant 0 : i32
      %scan3A_27 = arith.constant 0 : i32
      %scan3A_28 = arith.constant 32 : i32
      %scan3A_29 = arith.addi %scan3A_27, %scan3A_28 : i32
      %scan3A_30 = arith.constant 1 : i32
      scf.for %scan3A_32 = %scan3A_27 to %scan3A_29 step %scan3A_30  : i32 {
        %mul3A_33 = arith.constant 128 : i32
        %mul3A_34 = arith.muli %scan3A_32, %mul3A_33 : i32
        %add3A_35 = arith.constant 0 : i32
        %add3A_36 = arith.addi %mul3A_34, %add3A_35 : i32
        %get3A_37 = arith.index_cast %add3A_36 : i32 to index
        %get3A_38 = tpu.vector_load %arg7[%get3A_37] {strides = array<i32>} : memref<4096xi32, #tpu.memory_space<vmem>>, vector<16xi32>,
        %gather3A = tpu.vector_load_idx %arg8[%get3A_38] : memref<100000xi32, #tpu.memory_space<vmem>>[vector<16xi32>], vector<16xi32>,
        %add3A_39 = arith.constant 0 : i32
        %add3A_40 = arith.addi %mul3A_34, %add3A_39 : i32
        %swap3A = arith.index_cast %add3A_40 : i32 to index
        %swap3A_41 = tpu.vector_load %arg9[%swap3A] {strides = array<i32>} : memref<4096xi32, #tpu.memory_space<vmem>>, vector<16xi32>,
        tpu.vector_store %arg9[%swap3A], %gather3A {strides = array<i32>} : memref<4096xi32, #tpu.memory_space<vmem>>, vector<16xi32>,
        %add3A_42 = arith.constant 16 : i32
        %add3A_43 = arith.addi %mul3A_34, %add3A_42 : i32
        %get3A_44 = arith.index_cast %add3A_43 : i32 to index
        %get3A_45 = tpu.vector_load %arg7[%get3A_44] {strides = array<i32>} : memref<4096xi32, #tpu.memory_space<vmem>>, vector<16xi32>,
        %gather3A_46 = tpu.vector_load_idx %arg8[%get3A_45] : memref<100000xi32, #tpu.memory_space<vmem>>[vector<16xi32>], vector<16xi32>,
        %add3A_47 = arith.constant 16 : i32
        %add3A_48 = arith.addi %mul3A_34, %add3A_47 : i32
        %swap3A_49 = arith.index_cast %add3A_48 : i32 to index
        %swap3A_50 = tpu.vector_load %arg9[%swap3A_49] {strides = array<i32>} : memref<4096xi32, #tpu.memory_space<vmem>>, vector<16xi32>,
        tpu.vector_store %arg9[%swap3A_49], %gather3A_46 {strides = array<i32>} : memref<4096xi32, #tpu.memory_space<vmem>>, vector<16xi32>,
        %add3A_51 = arith.constant 32 : i32
        %add3A_52 = arith.addi %mul3A_34, %add3A_51 : i32
        %get3A_53 = arith.index_cast %add3A_52 : i32 to index
        %get3A_54 = tpu.vector_load %arg7[%get3A_53] {strides = array<i32>} : memref<4096xi32, #tpu.memory_space<vmem>>, vector<16xi32>,
        %gather3A_55 = tpu.vector_load_idx %arg8[%get3A_54] : memref<100000xi32, #tpu.memory_space<vmem>>[vector<16xi32>], vector<16xi32>,
        %add3A_56 = arith.constant 32 : i32
        %add3A_57 = arith.addi %mul3A_34, %add3A_56 : i32
        %swap3A_58 = arith.index_cast %add3A_57 : i32 to index
        %swap3A_59 = tpu.vector_load %arg9[%swap3A_58] {strides = array<i32>} : memref<4096xi32, #tpu.memory_space<vmem>>, vector<16xi32>,
        tpu.vector_store %arg9[%swap3A_58], %gather3A_55 {strides = array<i32>} : memref<4096xi32, #tpu.memory_space<vmem>>, vector<16xi32>,
        %add3A_60 = arith.constant 48 : i32
        %add3A_61 = arith.addi %mul3A_34, %add3A_60 : i32
        %get3A_62 = arith.index_cast %add3A_61 : i32 to index
        %get3A_63 = tpu.vector_load %arg7[%get3A_62] {strides = array<i32>} : memref<4096xi32, #tpu.memory_space<vmem>>, vector<16xi32>,
        %gather3A_64 = tpu.vector_load_idx %arg8[%get3A_63] : memref<100000xi32, #tpu.memory_space<vmem>>[vector<16xi32>], vector<16xi32>,
        %add3A_65 = arith.constant 48 : i32
        %add3A_66 = arith.addi %mul3A_34, %add3A_65 : i32
        %swap3A_67 = arith.index_cast %add3A_66 : i32 to index
        %swap3A_68 = tpu.vector_load %arg9[%swap3A_67] {strides = array<i32>} : memref<4096xi32, #tpu.memory_space<vmem>>, vector<16xi32>,
        tpu.vector_store %arg9[%swap3A_67], %gather3A_64 {strides = array<i32>} : memref<4096xi32, #tpu.memory_space<vmem>>, vector<16xi32>,
        %add3A_69 = arith.constant 64 : i32
        %add3A_70 = arith.addi %mul3A_34, %add3A_69 : i32
        %get3A_71 = arith.index_cast %add3A_70 : i32 to index
        %get3A_72 = tpu.vector_load %arg7[%get3A_71] {strides = array<i32>} : memref<4096xi32, #tpu.memory_space<vmem>>, vector<16xi32>,
        %gather3A_73 = tpu.vector_load_idx %arg8[%get3A_72] : memref<100000xi32, #tpu.memory_space<vmem>>[vector<16xi32>], vector<16xi32>,
        %add3A_74 = arith.constant 64 : i32
        %add3A_75 = arith.addi %mul3A_34, %add3A_74 : i32
        %swap3A_76 = arith.index_cast %add3A_75 : i32 to index
        %swap3A_77 = tpu.vector_load %arg9[%swap3A_76] {strides = array<i32>} : memref<4096xi32, #tpu.memory_space<vmem>>, vector<16xi32>,
        tpu.vector_store %arg9[%swap3A_76], %gather3A_73 {strides = array<i32>} : memref<4096xi32, #tpu.memory_space<vmem>>, vector<16xi32>,
        %add3A_78 = arith.constant 80 : i32
        %add3A_79 = arith.addi %mul3A_34, %add3A_78 : i32
        %get3A_80 = arith.index_cast %add3A_79 : i32 to index
        %get3A_81 = tpu.vector_load %arg7[%get3A_80] {strides = array<i32>} : memref<4096xi32, #tpu.memory_space<vmem>>, vector<16xi32>,
        %gather3A_82 = tpu.vector_load_idx %arg8[%get3A_81] : memref<100000xi32, #tpu.memory_space<vmem>>[vector<16xi32>], vector<16xi32>,
        %add3A_83 = arith.constant 80 : i32
        %add3A_84 = arith.addi %mul3A_34, %add3A_83 : i32
        %swap3A_85 = arith.index_cast %add3A_84 : i32 to index
        %swap3A_86 = tpu.vector_load %arg9[%swap3A_85] {strides = array<i32>} : memref<4096xi32, #tpu.memory_space<vmem>>, vector<16xi32>,
        tpu.vector_store %arg9[%swap3A_85], %gather3A_82 {strides = array<i32>} : memref<4096xi32, #tpu.memory_space<vmem>>, vector<16xi32>,
        %add3A_87 = arith.constant 96 : i32
        %add3A_88 = arith.addi %mul3A_34, %add3A_87 : i32
        %get3A_89 = arith.index_cast %add3A_88 : i32 to index
        %get3A_90 = tpu.vector_load %arg7[%get3A_89] {strides = array<i32>} : memref<4096xi32, #tpu.memory_space<vmem>>, vector<16xi32>,
        %gather3A_91 = tpu.vector_load_idx %arg8[%get3A_90] : memref<100000xi32, #tpu.memory_space<vmem>>[vector<16xi32>], vector<16xi32>,
        %add3A_92 = arith.constant 96 : i32
        %add3A_93 = arith.addi %mul3A_34, %add3A_92 : i32
        %swap3A_94 = arith.index_cast %add3A_93 : i32 to index
        %swap3A_95 = tpu.vector_load %arg9[%swap3A_94] {strides = array<i32>} : memref<4096xi32, #tpu.memory_space<vmem>>, vector<16xi32>,
        tpu.vector_store %arg9[%swap3A_94], %gather3A_91 {strides = array<i32>} : memref<4096xi32, #tpu.memory_space<vmem>>, vector<16xi32>,
        %add3A_96 = arith.constant 112 : i32
        %add3A_97 = arith.addi %mul3A_34, %add3A_96 : i32
        %get3A_98 = arith.index_cast %add3A_97 : i32 to index
        %get3A_99 = tpu.vector_load %arg7[%get3A_98] {strides = array<i32>} : memref<4096xi32, #tpu.memory_space<vmem>>, vector<16xi32>,
        %gather3A_100 = tpu.vector_load_idx %arg8[%get3A_99] : memref<100000xi32, #tpu.memory_space<vmem>>[vector<16xi32>], vector<16xi32>,
        %add3A_101 = arith.constant 112 : i32
        %add3A_102 = arith.addi %mul3A_34, %add3A_101 : i32
        %swap3A_103 = arith.index_cast %add3A_102 : i32 to index
        %swap3A_104 = tpu.vector_load %arg9[%swap3A_103] {strides = array<i32>} : memref<4096xi32, #tpu.memory_space<vmem>>, vector<16xi32>,
        tpu.vector_store %arg9[%swap3A_103], %gather3A_100 {strides = array<i32>} : memref<4096xi32, #tpu.memory_space<vmem>>, vector<16xi32>,
      }
      %scan3A_31 = arith.constant 32 : i32
      "tpu.region"() ({
        %run_scoped3A = tpu.sem_alloc : memref<!tpu.dma_semaphore, #tpu.memory_space<semaphore_mem>>
        %dma_start3A_32 = arith.constant 0 : i32
        %dma_start3A_33 = tpu.memref_slice %arg5[%add3A, %dma_start3A_32] : memref<25x4096xi32, #tpu.memory_space<hbm>> -> memref<1x4096xi32, #tpu.memory_space<hbm>>
        %dma_start3A_34 = tpu.memref_squeeze %dma_start3A_33 : memref<1x4096xi32, #tpu.memory_space<hbm>> -> memref<4096xi32, #tpu.memory_space<hbm>>
        %dma_start3A_35 = arith.constant 0 : i32
        %dma_start3A_36 = tpu.memref_slice %arg5[%add3A, %dma_start3A_35] : memref<25x4096xi32, #tpu.memory_space<hbm>> -> memref<1x4096xi32, #tpu.memory_space<hbm>>
        %dma_start3A_37 = tpu.memref_squeeze %dma_start3A_36 : memref<1x4096xi32, #tpu.memory_space<hbm>> -> memref<4096xi32, #tpu.memory_space<hbm>>
        tpu.enqueue_dma source(%arg9 : memref<4096xi32, #tpu.memory_space<vmem>>) target(%dma_start3A_37 : memref<4096xi32, #tpu.memory_space<hbm>>) target_semaphore(%run_scoped3A : memref<!tpu.dma_semaphore, #tpu.memory_space<semaphore_mem>>)
        %dma_wait3A_38 = arith.constant 0 : i32
        %dma_wait3A_39 = tpu.memref_slice %arg5[%add3A, %dma_wait3A_38] : memref<25x4096xi32, #tpu.memory_space<hbm>> -> memref<1x4096xi32, #tpu.memory_space<hbm>>
        %dma_wait3A_40 = tpu.memref_squeeze %dma_wait3A_39 : memref<1x4096xi32, #tpu.memory_space<hbm>> -> memref<4096xi32, #tpu.memory_space<hbm>>
        %dma_wait3A_41 = arith.constant 0 : i32
        %dma_wait3A_42 = tpu.memref_slice %arg5[%add3A, %dma_wait3A_41] : memref<25x4096xi32, #tpu.memory_space<hbm>> -> memref<1x4096xi32, #tpu.memory_space<hbm>>
        %dma_wait3A_43 = tpu.memref_squeeze %dma_wait3A_42 : memref<1x4096xi32, #tpu.memory_space<hbm>> -> memref<4096xi32, #tpu.memory_space<hbm>>
        tpu.wait_dma2 semaphore(%run_scoped3A : memref<!tpu.dma_semaphore, #tpu.memory_space<semaphore_mem>>) src(%arg9 : memref<4096xi32, #tpu.memory_space<vmem>>) dst(%dma_wait3A_43 : memref<4096xi32, #tpu.memory_space<hbm>>)
        tpu.yield
      }) : () -> ()
    } else {
    }
    return
  }
}

</mosaic_0001>

<sc_bundles>
// kernel: kernel.3.cloned.1.call-start
scs
__scs_entry_jumppad:
0x0: {  	(pc) =	sbr.rel $0x88, $3  }
0x1: {  	(tag) =	ssettag $0x0;
	lr =	simm.s32 $0x1  }
0x2: {  	[smem:$0x3F9D] =	sst lr;
	_ =	strace $0xD0000000  }
0x3: {  	_ = 	snop  }
0x4: {  	_ = 	snop  }
0x5: {  	_ = 	snop  }
0x6: {  	_ = 	snop  }
0x7: {  	_ = 	snop  }
__scs_overlays_trampoline_lowered:
0x8: {  	[smem:$0x3FAC] =	sst s0  }
0x9: {  	[smem:$0x3FAD] =	sst s1  }
0xa: {  	[smem:$0x3FAE] =	sst s2  }
0xb: {  	[smem:$0x3FAF] =	sst s3  }
0xc: {  	[smem:$0x3FB0] =	sst s4  }
0xd: {  	[smem:$0x3FB1] =	sst s5  }
0xe: {  	[smem:$0x3FB2] =	sst s6  }
0xf: {  	[smem:$0x3FB3] =	sst s7  }
0x10: {  	[smem:$0x3FB4] =	sst s8  }
0x11: {  	[smem:$0x3FB5] =	sst s9;
	s0 =	simm.s32 @!p0 $0x0  }
0x12: {  	s1 =	sld [smem:$0x3F9B];
	s0 =	simm.s32 @p0 $0x1  }
0x13: {  	[smem:$0x3FB6] =	sst s0;
	s0 =	simm.s32 @!p1 $0x0  }
0x14: {  	s2 =	sld [smem:$0x3F9A];
	s0 =	simm.s32 @p1 $0x1  }
0x15: {  	[smem:$0x3FB7] =	sst s0;
	s0 =	simm.s32 @!p2 $0x0  }
0x16: {  	s3 =	sld [smem:$0x3FDB];
	s0 =	simm.s32 @p2 $0x1  }
0x17: {  	s4 =	simm.s32 $0x1BF5;
	[smem:$0x3FB9] =	sst s0  }
0x18: {  	s0 =	sld [smem:$0x3F9C];
	_ =	swait.ge [sflag:s4], $0x0  }
0x19: {  	s7 =	sld [smem:$0x3F9D]  }
0x1a: {  	s8 =	sadd.s32 $0xFFFFE003, lr  }
0x1b: {  	s9 =	sadd.s32 $0xFFFFFEF7, lr;
	s5 =	simm.s32 $0xFFFFFFFF;
	p2 =	slt.u32 s8, $0xFFFFF086  }
0x1c: {  	p1 =	slt.u32 s9, $0xF7A;
	s5 =	simm.s32 @!p2 $0x0  }
0x1d: {  	s5 =	simm.s32 @p1 $0x1;
	p0 =	seq.s32 s7, s2  }
0x1e: {  	s7 =	smul.u32 @!p0 $0xF7A, s2;
	p2 =	seq.s32 @!p0 s5, $0x0  }
0x1f: {  	s9 =	smul.u32 $0xF7A, s1;
	s8 =	simm.s32 @!p0 $0x1BF5;
	p2 =	por !p2, p0  }
0x20: {  	[sflag:s8] =	ssyncset.s32 @!p0 $0xFFFFF086;
	s6 =	sadd.s32 @!p0 s3, s7;
	s7 =	simm.s32 @!p0 $0x108  }
0x21: {  	s3 =	sadd.s32 s3, s9;
	s6 =	sadd.s32 @!p0 $0x88, s6;
	s7 =	simm.s32 @p2 $0x1082  }
0x22: {  	[simem:s7], [sflag:s8] =	dma.local @!p0 [hbm:s6], $0xF7A  }
0x23: {  	s9 =	sor.u32 $0xD0000000, s2;
	s6 =	simm.s32 $0x108;
	_ =	swait.ge @!p0 [sflag:s8], $0x0  }
0x24: {  	s3 =	sadd.s32 $0x88, s3;
	s6 =	simm.s32 @!p1 $0x1082;
	[sflag:s4] =	ssyncset.s32 $0xFFFFF086  }
0x25: {  	[simem:s6], [sflag:s4] =	dma.local [hbm:s3], $0xF7A  }
0x26: {  	[smem:$0x3F9D] =	sst s1;
	(tag) =	ssettag s2;
	_ =	strace s9  }
0x27: {  	s1 =	sld [smem:$0x3FAD]  }
0x28: {  	s2 =	sld [smem:$0x3FAE]  }
0x29: {  	s4 =	sld [smem:$0x3FB0]  }
0x2a: {  	p0 =	seq.s32 s5, $0x0;
	s5 =	sld [smem:$0x3FB1]  }
0x2b: {  	s6 =	sld [smem:$0x3FB2]  }
0x2c: {  	s7 =	sld [smem:$0x3FB3]  }
0x2d: {  	s3 =	simm.s32 $0x108;
	s8 =	sld [smem:$0x3FB4]  }
0x2e: {  	s3 =	simm.s32 @!p0 $0x1082;
	s9 =	sld [smem:$0x3FB5]  }
0x2f: {  	lr =	sadd.s32 s0, s3;
	s0 =	sld [smem:$0x3FAC]  }
0x30: {  	s3 =	sld [smem:$0x3FAF]  }
0x31: {  	[smem:$0x3FB8] =	sst s10  }
0x32: {  	s10 =	sld [smem:$0x3FB6];
	_ =	sdelay $0x3  }
0x33: {  	p0 =	seq.s32 s10, $0x1;
	s10 =	sld [smem:$0x3FB8];
	_ =	sdelay $0x3  }
0x34: {  	[smem:$0x3FB8] =	sst s10  }
0x35: {  	s10 =	sld [smem:$0x3FB7];
	_ =	sdelay $0x3  }
0x36: {  	p1 =	seq.s32 s10, $0x1;
	s10 =	sld [smem:$0x3FB8];
	_ =	sdelay $0x3  }
0x37: {  	[smem:$0x3FB8] =	sst s10  }
0x38: {  	s10 =	sld [smem:$0x3FB9]  }
0x39: {  	_ = 	snop;
	(pc) =	sbr.ind lr, $3  }
0x3a: {  	_ = 	snop  }
0x3b: {  	_ = 	snop  }
0x3c: {  	p2 =	seq.s32 s10, $0x1;
	s10 =	sld [smem:$0x3FB8]  }
0x3d: {  	_ =	shalt  }
0x3e: {  	_ =	shalt  }
0x3f: {  	_ =	shalt  }
0x40: {  	_ =	shalt  }
0x41: {  	_ =	shalt  }
0x42: {  	_ =	shalt  }
0x43: {  	_ =	shalt  }
0x44: {  	_ =	shalt  }
0x45: {  	_ =	shalt  }
0x46: {  	_ =	shalt  }
0x47: {  	_ =	shalt  }
0x48: {  	_ =	shalt  }
0x49: {  	_ =	shalt  }
0x4a: {  	_ =	shalt  }
0x4b: {  	_ =	shalt  }
0x4c: {  	_ =	shalt  }
0x4d: {  	_ =	shalt  }
0x4e: {  	_ =	shalt  }
0x4f: {  	_ =	shalt  }
0x50: {  	_ =	shalt  }
0x51: {  	_ =	shalt  }
0x52: {  	_ =	shalt  }
0x53: {  	_ =	shalt  }
0x54: {  	_ =	shalt  }
0x55: {  	_ =	shalt  }
0x56: {  	_ =	shalt  }
0x57: {  	_ =	shalt  }
0x58: {  	_ =	shalt  }
0x59: {  	_ =	shalt  }
0x5a: {  	_ =	shalt  }
0x5b: {  	_ =	shalt  }
0x5c: {  	_ =	shalt  }
0x5d: {  	_ =	shalt  }
0x5e: {  	_ =	shalt  }
0x5f: {  	_ =	shalt  }
0x60: {  	_ =	shalt  }
0x61: {  	_ =	shalt  }
0x62: {  	_ =	shalt  }
0x63: {  	_ =	shalt  }
0x64: {  	_ =	shalt  }
0x65: {  	_ =	shalt  }
0x66: {  	_ =	shalt  }
0x67: {  	_ =	shalt  }
0x68: {  	_ =	shalt  }
0x69: {  	_ =	shalt  }
0x6a: {  	_ =	shalt  }
0x6b: {  	_ =	shalt  }
0x6c: {  	_ =	shalt  }
0x6d: {  	_ =	shalt  }
0x6e: {  	_ =	shalt  }
0x6f: {  	_ =	shalt  }
0x70: {  	_ =	shalt  }
0x71: {  	_ =	shalt  }
0x72: {  	_ =	shalt  }
0x73: {  	_ =	shalt  }
0x74: {  	_ =	shalt  }
0x75: {  	_ =	shalt  }
0x76: {  	_ =	shalt  }
0x77: {  	_ =	shalt  }
0x78: {  	_ =	shalt  }
0x79: {  	_ =	shalt  }
0x7a: {  	_ =	shalt  }
0x7b: {  	_ =	shalt  }
0x7c: {  	_ =	shalt  }
0x7d: {  	_ =	shalt  }
0x7e: {  	_ =	shalt  }
0x7f: {  	_ =	shalt  }
0x80: {  	_ =	shalt  }
0x81: {  	_ =	shalt  }
0x82: {  	_ =	shalt  }
0x83: {  	_ =	shalt  }
0x84: {  	_ =	shalt  }
0x85: {  	_ =	shalt  }
0x86: {  	_ =	shalt  }
0x87: {  	_ =	shalt  }
.Lfunc_end0:
.L_simem_size_0:
called_computation_lowered:
.L_overlay_start_0:
0x88: {  	s2 =	sld [smem:$0x3FD9]  }
0x89: {  	s3 =	sld [smem:$0x3FFE];
	_ =	sdelay $0x1  }
0x8a: {  	s1 =	srdreg.scid  }
0x8b: {  	s0 =	sand.u32 $0x1, s1  }
0x8c: {  	s17 =	sshll.u32 s0, $0xA;
	s2 =	sadd.s32 s3, s2  }
0x8d: {  	s2 =	sadd.s32 s2, s17  }
0x8e: {  	[smem:$0x3FC4] =	sst s2  }
0x8f: {  	_ = 	snop  }
0x90: {  	s2 =	sld [smem:$0x3FC9]  }
0x91: {  	s18 =	sld [smem:$0x3FC6]  }
0x92: {  	s4 =	sld [smem:$0x3FD0];
	(tm) =	ssettm $0x1  }
0x93: {  	s5 =	sld [smem:$0x3FFB];
	_ =	sdelay $0x3  }
0x94: {  	_ =	strace s5  }
0x95: {  	s5 =	sld [smem:$0x3FFC];
	_ =	sdelay $0x3  }
0x96: {  	_ =	strace s5  }
0x97: {  	s5 =	sld [smem:$0x3FFD];
	_ =	sdelay $0x3  }
0x98: {  	_ =	strace s5  }
0x99: {  	_ =	strace $0x8FFFFFFF  }
0x9a: {  	s19 =	sld [smem:$0x3FDB];
	_ =	sdelay $0x1  }
0x9b: {  	s6 =	simm.s32 $_scs_section_size  }
0x9c: {  	s7 =	simm.s32 $_size__tile_overlayer_lowered;
	s8 =	simm.s32 $_tile_overlayer_lowered  }
0x9d: {  	s22 =	simm.s32 $0x1BFF;
	s21 =	sshll.u32 s8, $0x1;
	s5 =	sadd.s32 s6, s19  }
0x9e: {  	s9 =	simm.s32 $0x0;
	s20 =	sshll.u32 s7, $0x1;
	s7 =	sadd.s32 s21, s5  }
0x9f: {  	[timem:s9], [sflag:s22] =	dma.local [hbm:s7], s20  }
0xa0: {  	_ =	swait.ge [sflag:s22], s20  }
0xa1: {  	s6 =	ssub.s32 $0x0, s20;
	[sflag:s22] =	ssyncset.done $0x0  }
0xa2: {  	[sflag:s22] =	ssyncadd.s32 s6;
	_ =	sdelay $0x1  }
0xa3: {  	s23 =	simm.s32 $0x1B8B  }
0xa4: {  	_ =	swait.ge [sflag:s23], $0x1  }
0xa5: {  	[sflag:s23] =	ssyncset.done $0x0  }
0xa6: {  	s25 =	simm.s32 $0x1B8E;
	s24 =	sld [smem:$0x3FFE];
	[sflag:s23] =	ssyncadd.s32 $0xFFFFFFFF  }
0xa7: {  	s26 =	simm.s32 $execute0_lowered;
	[smem:$0x3FD2] =	sst s25  }
0xa8: {  	s7 =	sshll.u32 s26, $0x1;
	_ =	strace $0x80000046;
	[dreg:$0x1] =	wrdreg $0xFFFFFFFF  }
0xa9: {  	s28 =	simm.s32 $_size_execute0_lowered;
	s5 =	sadd.s32 s5, s7;
	[dreg:$0x0] =	wrdreg $0x0  }
0xaa: {  	s7 =	sshll.u32 s28, $0x1;
	[dreg:$0x2] =	wrdreg s5  }
0xab: {  	[dreg:$0x3] =	wrdreg s7  }
0xac: {  	[dreg:$0x4] =	wrdreg $0xC0  }
0xad: {  	_ =	task [dreg:s9], $0x5FFFF  }
0xae: {  	[dreg:$0x1] =	wrdreg $0xFFFFFFFF  }
0xaf: {  	[dreg:$0x0] =	wrdreg $0x60  }
0xb0: {  	[dreg:$0x2] =	wrdreg s18  }
0xb1: {  	[dreg:$0x3] =	wrdreg s2  }
0xb2: {  	[dreg:$0x4] =	wrdreg s24  }
0xb3: {  	[dreg:$0x5] =	wrdreg s4  }
0xb4: {  	[dreg:$0x6] =	wrdreg $0x9  }
0xb5: {  	_ =	task.clear_ibuf [dreg:s9], $0x7FFFF;
	_ =	strace $0x90000046  }
0xb6: {  	s29 =	simm.s32 $0x9;
	_ =	strace $0x80000048  }
0xb7: {  	_ =	swait.ge [sflag:s29], $0x1  }
0xb8: {  	[sflag:s29] =	ssyncadd.s32 $0xFFFFFFFF  }
0xb9: {  	_ =	strace $0x90000048  }
0xba: {  	_ =	sfence  }
0xbb: {  	s30 =	sld [smem:$0x0];
	_ =	sdelay $0x2  }
0xbc: {  	s31 =	sshll.u32 s1, $0xD;
	s1 =	sshrl.u32 s1, $0x2  }
0xbd: {  	s3 =	sand.u32 $0x4000, s31;
	s1 =	sadd.s32 s1, s30  }
0xbe: {  	s0 =	sor.u32 s3, s0;
	s1 =	sshll.u32 s1, $0x11  }
0xbf: {  	s0 =	sor.u32 s1, s0  }
0xc0: {  	s0 =	sadd.s32 $0x8F2B, s0  }
0xc1: {  	[sflag:s0] =	ssyncadd.remote.s32 $0x1  }
0xc2: {  	_ =	sfence.sel $0xFFFF  }
0xc3: {  	[dreg:$0x0] =	wrdreg $0xFFFFFFFF;
	(pc) =	sbr.abs _section_cstart, $3  }
0xc4: {  	[dreg:$0x1] =	wrdreg $0xFFFFFFFF  }
0xc5: {  	_ =	task.clear_ibuf [dreg:s9], $0x2FFFF;
	_ =	strace $0x9FFFFFFF  }
0xc6: {  	(tm) =	ssettm $0x7FFFFFFF  }
0xc7: {  	_ =	shalt  }
tec
execute0_lowered:
.L_overlay_start_1:
0x0: {  	(tag) =	ssettag $0x1  }
0x1: {  	s3 =	srdreg.scid;
	s0 =	stileid.u32  }
0x2: {  	s7 =	sand.u32 $0x1, s3;
	s8 =	sshll.u32 s0, $0x1  }
0x3: {  	s15 =	sor.u32 s7, s8  }
0x4: {  	s1 =	rddreg [dreg:$0x0];
	p0 =	sgt.u32 s15, $0x18  }
.Ltmp0:
0x5: {  	s2 =	rddreg [dreg:$0x1];
	(pc) =	sbr.rel @p0 .LBB2_5-.Ltmp0, $4  }
0x6: {  	s5 =	rddreg [dreg:$0x2]  }
0x7: {  	s6 =	rddreg [dreg:$0x3];
	s4 =	simm.s32 $0x0  }
0x8: {  	[smem:$0x7FF] =	sst s4  }
0x9: {  	s3 =	rddreg [dreg:$0x4];
	_ =	strace $0x80000047  }
0xa: {  	s5 =	sadd.s32 $0x600, s5;
	s8 =	sshll.u32 s0, $0xA;
	s7 =	ssub.s32 $0x2, s7  }
0xb: {  	s9 =	sshll.u32 s15, $0x4;
	s11 =	simm.s32 $0x1080;
	s12 =	simm.s32 $0x2  }
0xc: {  	s13 =	simm.s32 $0x1;
	s14 =	simm.s32 $0x19780;
	s8 =	sand.u32 $0x3000, s8  }
0xd: {  	s10 =	sshrl.u32 s7, $0x1;
	s9 =	sand.u32 $0x70, s9;
	s6 =	sadd.s32 s6, s8  }
0xe: {  	s7 =	ssub.s32 s7, s10;
	s8 =	simm.s32 $0x80;
	s10 =	simm.s32 $0x400  }
0xf: {  	v0 =	vmov s15;
	s6 =	sadd.s32 s9, s6;
	s7 =	smax.u32 s7, $0x1;
	s9 =	simm.s32 $0x3  }
.LBB2_2:
0x10: {  	s15 =	simm.s32 $0x0  }
0x11: {  	[tilespmem:s8], [sflag:$0x1] =	stream.linear.gather [hbm4b:s2+s15], $0x1000, $0x38;
	[tilespmem:$0x1A780] =	vst v63  }
0x12: {  	_ = 	snop  }
0x13: {  	[tilespmem:s15], [sflag:$0x3] =	stream.linear.gather [hbm4b:s5+s15], $0x80, $0x38;
	[tilespmem:$0x1A780] =	vst v63  }
0x14: {  	_ =	swait.ge [sflag:s9], $0x80  }
0x15: {  	[sflag:s9] =	ssyncset.done $0x0  }
0x16: {  	[sflag:s9] =	ssyncadd.s32 $0xFFFFFF80  }
0x17: {  	v1 =	vld [tilespmem:$0x0];
	_ =	sdelay $0x4  }
0x18: {  	(v2sf) =	vpush v1, $0x1  }
0x19: {  	(v2sf) =	vpush v1, $0x0;
	_ =	sdelay $0xd  }
0x1a: {  	s30 =	spop (v2sf)  }
0x1b: {  	s16 =	spop (v2sf)  }
0x1c: {  	v1 =	vld.idx.msk [tilespmem:v0+s16+$0xFFFFFFF7 ss:$0x1], $0xffff;
	_ =	sdelay $0x4  }
0x1d: {  	(v2sf) =	vpush v1, $0x0;
	_ =	sdelay $0xe  }
0x1e: {  	s15 =	sshll.u32 s30, $0x5;
	s31 =	spop (v2sf)  }
0x1f: {  	s15 =	sadd.s32 s31, s15  }
0x20: {  	s15 =	sshrl.u32 s15, $0x3  }
0x21: {  	s16 =	sshll.u32 s31, $0x7;
	s15 =	smul.u32 $0xC3800, s15  }
0x22: {  	s16 =	sand.u32 $0x380, s16  }
0x23: {  	s15 =	sor.u32 s16, s15  }
0x24: {  	s15 =	sshrl.u32 s15, $0x3  }
0x25: {  	s15 =	sadd.s32 s1, s15  }
0x26: {  	[tilespmem:s11], [sflag:$0x2] =	stream.strided.gather [hbm4b:s15+s8], $0x18700, s10, s8, $0x38;
	[tilespmem:$0x1A780] =	vst v63  }
0x27: {  	_ =	swait.ge [sflag:s12], $0x18700  }
0x28: {  	[sflag:s12] =	ssyncset.done $0x0  }
0x29: {  	[sflag:s12] =	ssyncadd.s32 $0xFFFE7900  }
0x2a: {  	_ =	swait.ge [sflag:s13], $0x1000  }
0x2b: {  	[sflag:s13] =	ssyncset.done $0x0  }
0x2c: {  	s15 =	simm.s32 $0x0;
	[sflag:s13] =	ssyncadd.s32 $0xFFFFF000  }
0x2d: {  	v1 =	vld [tilespmem:s15+$0x80];
	_ =	sdelay $0x5  }
0x2e: {  	v2 =	vld [tilespmem:s15+$0x90];
	_ =	sdelay $0x1  }
0x2f: {  	v1 =	vld.idx.msk [tilespmem:v1+s11+$0x0], $0xffff;
	_ =	sdelay $0x4  }
0x30: {  	[tilespmem:s15+$0x19780] =	vst v1;
	v1 =	vld [tilespmem:s15+$0xA0]  }
0x31: {  	v2 =	vld.idx.msk [tilespmem:v2+s11+$0x0], $0xffff;
	_ =	sdelay $0x4  }
0x32: {  	[tilespmem:s15+$0x19790] =	vst v2;
	v2 =	vld [tilespmem:s15+$0xB0];
	_ =	sdelay $0x1  }
0x33: {  	v1 =	vld.idx.msk [tilespmem:v1+s11+$0x0], $0xffff;
	_ =	sdelay $0x4  }
0x34: {  	[tilespmem:s15+$0x197A0] =	vst v1;
	v1 =	vld [tilespmem:s15+$0xC0]  }
0x35: {  	v2 =	vld.idx.msk [tilespmem:v2+s11+$0x0], $0xffff;
	_ =	sdelay $0x4  }
0x36: {  	[tilespmem:s15+$0x197B0] =	vst v2;
	v2 =	vld [tilespmem:s15+$0xD0];
	_ =	sdelay $0x1  }
0x37: {  	v1 =	vld.idx.msk [tilespmem:v1+s11+$0x0], $0xffff;
	_ =	sdelay $0x4  }
0x38: {  	v3 =	vld [tilespmem:s15+$0xE0];
	[tilespmem:s15+$0x197C0] =	vst v1  }
0x39: {  	v1 =	vld.idx.msk [tilespmem:v2+s11+$0x0], $0xffff;
	_ =	sdelay $0x4  }
0x3a: {  	[tilespmem:s15+$0x197D0] =	vst v1;
	v1 =	vld [tilespmem:s15+$0xF0];
	_ =	sdelay $0x1  }
0x3b: {  	v2 =	vld.idx.msk [tilespmem:v3+s11+$0x0], $0xffff;
	_ =	sdelay $0x3  }
0x3c: {  	s17 =	simm.s32 $0x80;
	s16 =	simm.s32 $0x400  }
.LBB2_3:
0x3d: {  	p0 =	sne.s32 s16, $0x3E00;
	v3 =	vld [tilespmem:s17+$0x80];
	[tilespmem:s15+$0x197E0] =	vst v2  }
0x3e: {  	v1 =	vld.idx.msk [tilespmem:v1+s11+$0x0], $0xffff;
	_ =	sdelay $0x5  }
0x3f: {  	v2 =	vld [tilespmem:s17+$0x90];
	[tilespmem:s15+$0x197F0] =	vst v1;
	s15 =	smov.u32 s17  }
0x40: {  	v1 =	vld.idx.msk [tilespmem:v3+s11+$0x0], $0xffff;
	_ =	sdelay $0x5  }
0x41: {  	[tilespmem:s15+$0x19780] =	vst v1;
	v1 =	vld [tilespmem:s15+$0xA0]  }
0x42: {  	v2 =	vld.idx.msk [tilespmem:v2+s11+$0x0], $0xffff;
	_ =	sdelay $0x5  }
0x43: {  	[tilespmem:s15+$0x19790] =	vst v2;
	v2 =	vld [tilespmem:s15+$0xB0]  }
0x44: {  	v1 =	vld.idx.msk [tilespmem:v1+s11+$0x0], $0xffff;
	_ =	sdelay $0x5  }
0x45: {  	[tilespmem:s15+$0x197A0] =	vst v1;
	v1 =	vld [tilespmem:s15+$0xC0]  }
0x46: {  	v2 =	vld.idx.msk [tilespmem:v2+s11+$0x0], $0xffff;
	_ =	sdelay $0x5  }
0x47: {  	[tilespmem:s15+$0x197B0] =	vst v2;
	v2 =	vld [tilespmem:s15+$0xD0]  }
0x48: {  	v1 =	vld.idx.msk [tilespmem:v1+s11+$0x0], $0xffff;
	_ =	sdelay $0x5  }
0x49: {  	[tilespmem:s15+$0x197C0] =	vst v1;
	v3 =	vld [tilespmem:s15+$0xE0]  }
0x4a: {  	v1 =	vld.idx.msk [tilespmem:v2+s11+$0x0], $0xffff;
	_ =	sdelay $0x5  }
0x4b: {  	[tilespmem:s15+$0x197D0] =	vst v1;
	v1 =	vld [tilespmem:s15+$0xF0]  }
0x4c: {  	v2 =	vld.idx.msk [tilespmem:v3+s11+$0x0], $0xffff  }
.Ltmp1:
0x4d: {  	(pc) =	sbr.rel @p0 .LBB2_3-.Ltmp1, $2  }
0x4e: {  	_ =	sdelay $0x2  }
0x4f: {  	s17 =	sshra.s32 s16, $0x2;
	s16 =	sadd.s32 $0x200, s16  }
0x50: {  	_ =	sdelay $0x1  }
0x51: {  	v3 =	vld [tilespmem:s17+$0x80]  }
0x52: {  	[tilespmem:s15+$0x197E0] =	vst v2  }
0x53: {  	v1 =	vld.idx.msk [tilespmem:v1+s11+$0x0], $0xffff;
	_ =	sdelay $0x3  }
0x54: {  	v2 =	vld [tilespmem:s17+$0x90]  }
0x55: {  	[tilespmem:s15+$0x197F0] =	vst v1  }
0x56: {  	v1 =	vld.idx.msk [tilespmem:v3+s11+$0x0], $0xffff;
	_ =	sdelay $0x4  }
0x57: {  	[tilespmem:s17+$0x19780] =	vst v1;
	v1 =	vld [tilespmem:s17+$0xA0]  }
0x58: {  	v2 =	vld.idx.msk [tilespmem:v2+s11+$0x0], $0xffff;
	_ =	sdelay $0x4  }
0x59: {  	[tilespmem:s17+$0x19790] =	vst v2;
	v2 =	vld [tilespmem:s17+$0xB0];
	_ =	sdelay $0x1  }
0x5a: {  	v1 =	vld.idx.msk [tilespmem:v1+s11+$0x0], $0xffff;
	_ =	sdelay $0x4  }
0x5b: {  	[tilespmem:s17+$0x197A0] =	vst v1;
	v1 =	vld [tilespmem:s17+$0xC0]  }
0x5c: {  	v2 =	vld.idx.msk [tilespmem:v2+s11+$0x0], $0xffff;
	_ =	sdelay $0x4  }
0x5d: {  	[tilespmem:s17+$0x197B0] =	vst v2;
	v2 =	vld [tilespmem:s17+$0xD0];
	_ =	sdelay $0x1  }
0x5e: {  	v1 =	vld.idx.msk [tilespmem:v1+s11+$0x0], $0xffff;
	_ =	sdelay $0x4  }
0x5f: {  	[tilespmem:s17+$0x197C0] =	vst v1;
	v1 =	vld [tilespmem:s17+$0xE0]  }
0x60: {  	v2 =	vld.idx.msk [tilespmem:v2+s11+$0x0], $0xffff;
	_ =	sdelay $0x4  }
0x61: {  	[tilespmem:s17+$0x197D0] =	vst v2;
	v2 =	vld [tilespmem:s17+$0xF0];
	_ =	sdelay $0x1  }
0x62: {  	v1 =	vld.idx.msk [tilespmem:v1+s11+$0x0], $0xffff;
	_ =	sdelay $0x4  }
0x63: {  	[tilespmem:s17+$0x197E0] =	vst v1  }
0x64: {  	v1 =	vld.idx.msk [tilespmem:v2+s11+$0x0], $0xffff;
	_ =	sdelay $0x2  }
0x65: {  	s4 =	sadd.s32 $0x1, s4  }
0x66: {  	p0 =	sne.s32 s4, s7  }
.Ltmp2:
0x67: {  	[tilespmem:s17+$0x197F0] =	vst v1;
	(pc) =	sbr.rel @p0 .LBB2_2-.Ltmp2, $4  }
0x68: {  	[hbm4b:s6+s8] =	stream.strided.scatter [tilespmem:s14], [sflag:$0x3], $0x1000, s10, s8, $0x38;
	[tilespmem:$0x1A780] =	vst v63  }
0x69: {  	_ =	swait.ge [sflag:s9], $0x1000  }
0x6a: {  	[sflag:s9] =	ssyncset.done $0x0  }
0x6b: {  	[sflag:s9] =	ssyncadd.s32 $0xFFFFF000  }
.LBB2_5:
0x6c: {  	_ =	sfence.sel $0x180000  }
0x6d: {  	[bflag:$0x0] =	sbarrier.arrive $0xFFFF  }
0x6e: {  	p0 =	sne.s32 s0, $0x0;
	_ =	strace $0x90000047  }
0x6f: {  	s0 =	sadd.s32 @!p0 $0x100000, s3;
	[bflag:$0x2] =	sbarrier.arrive $0xFFFF  }
0x70: {  	[sflag:s0] =	ssyncadd.tile.s32 @!p0 $0x1;
	_ =	shalt  }
.Lfunc_end2:
_tile_overlayer_lowered:
.L_overlay_start_2:
0x71: {  	(tag) =	ssettag $0x2  }
0x72: {  	s0 =	rddreg [dreg:$0x0];
	s2 =	stileid.u32  }
0x73: {  	s1 =	rddreg [dreg:$0x1];
	p0 =	sne.s32 s2, $0x0  }
0x74: {  	s3 =	rddreg [dreg:$0x2];
	[bflag:$0x3] =	sbarrier.arrive $0xFFFF;
	s2 =	simm.s32 @!p0 $0x1C03  }
0x75: {  	[timem:s3], [sflag:s2] =	dma.local @!p0 [hbm:s0], s1  }
0x76: {  	s0 =	simm.s32 @!p0 $0x3  }
0x77: {  	_ =	swait.ge @!p0 [sflag:s0], s1  }
0x78: {  	s1 =	ssub.s32 @!p0 $0x0, s1;
	[sflag:s0] =	ssyncset.done @!p0 $0x0  }
0x79: {  	[sflag:s0] =	ssyncadd.s32 @!p0 s1  }
0x7a: {  	[bflag:$0x3] =	sbarrier.arrive $0xFFFF  }
0x7b: {  	_ =	shalt  }

</sc_bundles>
